<compile_context>
chip_gen: v7x
topology: tpu7x:2x2x1
jax: 0.10.2.dev20260603
libtpu: 0.0.44.dev20260713+nightly
codegen_flags: <defaults>
</compile_context>

<pallas_src>
import functools

import jax
import jax.numpy as jnp
from jax import lax
from jax.experimental import pallas as pl
from jax.experimental.pallas import tpu as pltpu
from jax.experimental.pallas import tpu_sc as plsc

EMBEDDING_DIM = 128
BATCH = 16384
_LANES = 16
_VPR = EMBEDDING_DIM // _LANES

_info = plsc.get_sparse_core_info()
_NC = _info.num_cores
_NS = _info.num_subcores
_NW = _NC * _NS
_BPW = BATCH // _NW
_K = 128


@functools.partial(
    pl.kernel,
    mesh=plsc.VectorSubcoreMesh(core_axis_name="c", subcore_axis_name="s"),
    out_type=jax.ShapeDtypeStruct((BATCH, EMBEDDING_DIM), jnp.float32),
    scratch_types=[
        pltpu.VMEM((_K, EMBEDDING_DIM), jnp.float32),
        pltpu.SemaphoreType.DMA,
    ],
)
def _broadcast_row_kernel(table_hbm, out_hbm, buf, sem):
    wid = lax.axis_index("s") * _NC + lax.axis_index("c")
    base = wid * _BPW
    pltpu.sync_copy(table_hbm, buf.at[pl.ds(0, 1)])
    regs = [buf[0, pl.ds(j * _LANES, _LANES)] for j in range(_VPR)]

    def _fill(i, carry):
        for j in range(_VPR):
            buf[i, pl.ds(j * _LANES, _LANES)] = regs[j]
        return carry

    lax.fori_loop(1, _K, _fill, 0)
    copies = [
        pltpu.async_copy(buf, out_hbm.at[pl.ds(base + t * _K, _K)], sem)
        for t in range(_BPW // _K)
    ]
    for c in copies:
        c.wait()


def kernel(mz_input, mz_table, default_embedding):
    del mz_input, default_embedding
    return _broadcast_row_kernel(mz_table)

# --- scband reference (transcript-rebuilt; emitter-appended) ---
"""Pipeline reference for scband-single-sample-mz-embedding-29661044146399 (READ-ONLY COPY).

The authoritative reference and input builder live on the scoring server;
editing this copy changes nothing except your own understanding.
"""

import jax, jax.numpy as jnp
import numpy as np

EMBEDDING_DIM = 128
BATCH = 16384

def setup_inputs(seed: int = 0) -> dict:
    key = jax.random.key(seed)
    k1, k2, k3 = jax.random.split(key, 3)
    mz_input = jax.random.randint(k1, (BATCH,), 0, 1, dtype=jnp.int64) if jax.config.jax_enable_x64 else jax.random.randint(k1, (BATCH,), 0, 1).astype(jnp.int32)
    # learned parameters per init_kwargs
    mz_table = jax.random.normal(k2, (1, EMBEDDING_DIM), dtype=jnp.float32)
    default_embedding = jax.random.normal(k3, (EMBEDDING_DIM,), dtype=jnp.float32)
    return {"mz_input": mz_input, "mz_table": mz_table, "default_embedding": default_embedding}

def reference(mz_input, mz_table, default_embedding):
    # Faithful translation of SingleSampleMzEmbedding.forward with mz_input provided.
    # if mz_input is None: return default_embedding[None, :]  (not exercised here)
    if mz_input is None:
        return default_embedding[None, :]
    return jnp.take(mz_table, mz_input, axis=0)

if __name__ == "__main__":
    import jax
    _d = setup_inputs()
    print(jax.jit(kernel)(*tuple(_d.values())))

</pallas_src>

<mosaic_0001>
#map = affine_map<(d0, d1) -> (0, 0)>
module attributes {stable_mosaic.version = 14 : i64} {
  func.func @_broadcast_row_kernel(%arg0: i32, %arg1: i32, %arg2: memref<1x128xf32, #tpu.memory_space<hbm>>, %arg3: memref<16384x128xf32, #tpu.memory_space<hbm>>, %arg4: memref<128x128xf32, #tpu.memory_space<vmem>>, %arg5: memref<!tpu.dma_semaphore, #tpu.memory_space<semaphore_mem>>) attributes {dimension_semantics = [#tpu.dimension_semantics<core_parallel>, #tpu.dimension_semantics<subcore_parallel>], iteration_bounds = array<i64: 2, 16>, scalar_prefetch = 0 : i64, scratch_operands = 2 : i64, tpu.core_type = #tpu.core_type<sc_vector_subcore>, window_params = [{transform_indices = #map}, {transform_indices = #map}]} {
    %mul3A = arith.constant 2 : i32
    %mul3A_0 = arith.muli %arg1, %mul3A : i32
    %add3A = arith.addi %mul3A_0, %arg0 : i32
    %mul3A_1 = arith.constant 512 : i32
    %mul3A_2 = arith.muli %add3A, %mul3A_1 : i32
    "tpu.region"() ({
      %run_scoped3A = tpu.sem_alloc : memref<!tpu.dma_semaphore, #tpu.memory_space<semaphore_mem>>
      %dma_start3A_85 = arith.constant 0 : i32
      %dma_start3A_86 = arith.constant 0 : i32
      %dma_start3A_87 = tpu.memref_slice %arg4[%dma_start3A_85, %dma_start3A_86] : memref<128x128xf32, #tpu.memory_space<vmem>> -> memref<1x128xf32, #tpu.memory_space<vmem>>
      %dma_start3A_88 = arith.constant 0 : i32
      %dma_start3A_89 = arith.constant 0 : i32
      %dma_start3A_90 = tpu.memref_slice %arg4[%dma_start3A_88, %dma_start3A_89] : memref<128x128xf32, #tpu.memory_space<vmem>> -> memref<1x128xf32, #tpu.memory_space<vmem>>
      tpu.enqueue_dma source(%arg2 : memref<1x128xf32, #tpu.memory_space<hbm>>) target(%dma_start3A_90 : memref<1x128xf32, #tpu.memory_space<vmem>>) target_semaphore(%run_scoped3A : memref<!tpu.dma_semaphore, #tpu.memory_space<semaphore_mem>>)
      %dma_wait3A_91 = arith.constant 0 : i32
      %dma_wait3A_92 = arith.constant 0 : i32
      %dma_wait3A_93 = tpu.memref_slice %arg4[%dma_wait3A_91, %dma_wait3A_92] : memref<128x128xf32, #tpu.memory_space<vmem>> -> memref<1x128xf32, #tpu.memory_space<vmem>>
      %dma_wait3A_94 = arith.constant 0 : i32
      %dma_wait3A_95 = arith.constant 0 : i32
      %dma_wait3A_96 = tpu.memref_slice %arg4[%dma_wait3A_94, %dma_wait3A_95] : memref<128x128xf32, #tpu.memory_space<vmem>> -> memref<1x128xf32, #tpu.memory_space<vmem>>
      tpu.wait_dma2 semaphore(%run_scoped3A : memref<!tpu.dma_semaphore, #tpu.memory_space<semaphore_mem>>) src(%arg2 : memref<1x128xf32, #tpu.memory_space<hbm>>) dst(%dma_wait3A_96 : memref<1x128xf32, #tpu.memory_space<vmem>>)
      tpu.yield
    }) : () -> ()
    %get3A = arith.constant 0 : i32
    %get3A_3 = arith.index_cast %get3A : i32 to index
    %get3A_4 = arith.constant 0 : index
    %get3A_5 = tpu.vector_load %arg4[%get3A_3, %get3A_4] {strides = array<i32>} : memref<128x128xf32, #tpu.memory_space<vmem>>, vector<1x16xf32>,
    %get3A_6 = vector.shape_cast %get3A_5 : vector<1x16xf32> to vector<16xf32>
    %get3A_7 = arith.constant 0 : i32
    %get3A_8 = arith.index_cast %get3A_7 : i32 to index
    %get3A_9 = arith.constant 16 : index
    %get3A_10 = tpu.vector_load %arg4[%get3A_8, %get3A_9] {strides = array<i32>} : memref<128x128xf32, #tpu.memory_space<vmem>>, vector<1x16xf32>,
    %get3A_11 = vector.shape_cast %get3A_10 : vector<1x16xf32> to vector<16xf32>
    %get3A_12 = arith.constant 0 : i32
    %get3A_13 = arith.index_cast %get3A_12 : i32 to index
    %get3A_14 = arith.constant 32 : index
    %get3A_15 = tpu.vector_load %arg4[%get3A_13, %get3A_14] {strides = array<i32>} : memref<128x128xf32, #tpu.memory_space<vmem>>, vector<1x16xf32>,
    %get3A_16 = vector.shape_cast %get3A_15 : vector<1x16xf32> to vector<16xf32>
    %get3A_17 = arith.constant 0 : i32
    %get3A_18 = arith.index_cast %get3A_17 : i32 to index
    %get3A_19 = arith.constant 48 : index
    %get3A_20 = tpu.vector_load %arg4[%get3A_18, %get3A_19] {strides = array<i32>} : memref<128x128xf32, #tpu.memory_space<vmem>>, vector<1x16xf32>,
    %get3A_21 = vector.shape_cast %get3A_20 : vector<1x16xf32> to vector<16xf32>
    %get3A_22 = arith.constant 0 : i32
    %get3A_23 = arith.index_cast %get3A_22 : i32 to index
    %get3A_24 = arith.constant 64 : index
    %get3A_25 = tpu.vector_load %arg4[%get3A_23, %get3A_24] {strides = array<i32>} : memref<128x128xf32, #tpu.memory_space<vmem>>, vector<1x16xf32>,
    %get3A_26 = vector.shape_cast %get3A_25 : vector<1x16xf32> to vector<16xf32>
    %get3A_27 = arith.constant 0 : i32
    %get3A_28 = arith.index_cast %get3A_27 : i32 to index
    %get3A_29 = arith.constant 80 : index
    %get3A_30 = tpu.vector_load %arg4[%get3A_28, %get3A_29] {strides = array<i32>} : memref<128x128xf32, #tpu.memory_space<vmem>>, vector<1x16xf32>,
    %get3A_31 = vector.shape_cast %get3A_30 : vector<1x16xf32> to vector<16xf32>
    %get3A_32 = arith.constant 0 : i32
    %get3A_33 = arith.index_cast %get3A_32 : i32 to index
    %get3A_34 = arith.constant 96 : index
    %get3A_35 = tpu.vector_load %arg4[%get3A_33, %get3A_34] {strides = array<i32>} : memref<128x128xf32, #tpu.memory_space<vmem>>, vector<1x16xf32>,
    %get3A_36 = vector.shape_cast %get3A_35 : vector<1x16xf32> to vector<16xf32>
    %get3A_37 = arith.constant 0 : i32
    %get3A_38 = arith.index_cast %get3A_37 : i32 to index
    %get3A_39 = arith.constant 112 : index
    %get3A_40 = tpu.vector_load %arg4[%get3A_38, %get3A_39] {strides = array<i32>} : memref<128x128xf32, #tpu.memory_space<vmem>>, vector<1x16xf32>,
    %get3A_41 = vector.shape_cast %get3A_40 : vector<1x16xf32> to vector<16xf32>
    %scan3A = arith.constant 0 : i32
    %scan3A_42 = arith.constant 1 : i32
    %scan3A_43 = arith.constant 127 : i32
    %scan3A_44 = arith.addi %scan3A_42, %scan3A_43 : i32
    %scan3A_45 = arith.constant 1 : i32
    scf.for %scan3A_85 = %scan3A_42 to %scan3A_44 step %scan3A_45  : i32 {
      %swap3A = arith.index_cast %scan3A_85 : i32 to index
      %swap3A_86 = arith.constant 0 : index
      %swap3A_87 = tpu.vector_load %arg4[%swap3A, %swap3A_86] {strides = array<i32>} : memref<128x128xf32, #tpu.memory_space<vmem>>, vector<1x16xf32>,
      %swap3A_88 = vector.shape_cast %swap3A_87 : vector<1x16xf32> to vector<16xf32>
      %swap3A_89 = vector.shape_cast %get3A_6 : vector<16xf32> to vector<1x16xf32>
      tpu.vector_store %arg4[%swap3A, %swap3A_86], %swap3A_89 {strides = array<i32>} : memref<128x128xf32, #tpu.memory_space<vmem>>, vector<1x16xf32>,
      %swap3A_90 = arith.index_cast %scan3A_85 : i32 to index
      %swap3A_91 = arith.constant 16 : index
      %swap3A_92 = tpu.vector_load %arg4[%swap3A_90, %swap3A_91] {strides = array<i32>} : memref<128x128xf32, #tpu.memory_space<vmem>>, vector<1x16xf32>,
      %swap3A_93 = vector.shape_cast %swap3A_92 : vector<1x16xf32> to vector<16xf32>
      %swap3A_94 = vector.shape_cast %get3A_11 : vector<16xf32> to vector<1x16xf32>
      tpu.vector_store %arg4[%swap3A_90, %swap3A_91], %swap3A_94 {strides = array<i32>} : memref<128x128xf32, #tpu.memory_space<vmem>>, vector<1x16xf32>,
      %swap3A_95 = arith.index_cast %scan3A_85 : i32 to index
      %swap3A_96 = arith.constant 32 : index
      %swap3A_97 = tpu.vector_load %arg4[%swap3A_95, %swap3A_96] {strides = array<i32>} : memref<128x128xf32, #tpu.memory_space<vmem>>, vector<1x16xf32>,
      %swap3A_98 = vector.shape_cast %swap3A_97 : vector<1x16xf32> to vector<16xf32>
      %swap3A_99 = vector.shape_cast %get3A_16 : vector<16xf32> to vector<1x16xf32>
      tpu.vector_store %arg4[%swap3A_95, %swap3A_96], %swap3A_99 {strides = array<i32>} : memref<128x128xf32, #tpu.memory_space<vmem>>, vector<1x16xf32>,
      %swap3A_100 = arith.index_cast %scan3A_85 : i32 to index
      %swap3A_101 = arith.constant 48 : index
      %swap3A_102 = tpu.vector_load %arg4[%swap3A_100, %swap3A_101] {strides = array<i32>} : memref<128x128xf32, #tpu.memory_space<vmem>>, vector<1x16xf32>,
      %swap3A_103 = vector.shape_cast %swap3A_102 : vector<1x16xf32> to vector<16xf32>
      %swap3A_104 = vector.shape_cast %get3A_21 : vector<16xf32> to vector<1x16xf32>
      tpu.vector_store %arg4[%swap3A_100, %swap3A_101], %swap3A_104 {strides = array<i32>} : memref<128x128xf32, #tpu.memory_space<vmem>>, vector<1x16xf32>,
      %swap3A_105 = arith.index_cast %scan3A_85 : i32 to index
      %swap3A_106 = arith.constant 64 : index
      %swap3A_107 = tpu.vector_load %arg4[%swap3A_105, %swap3A_106] {strides = array<i32>} : memref<128x128xf32, #tpu.memory_space<vmem>>, vector<1x16xf32>,
      %swap3A_108 = vector.shape_cast %swap3A_107 : vector<1x16xf32> to vector<16xf32>
      %swap3A_109 = vector.shape_cast %get3A_26 : vector<16xf32> to vector<1x16xf32>
      tpu.vector_store %arg4[%swap3A_105, %swap3A_106], %swap3A_109 {strides = array<i32>} : memref<128x128xf32, #tpu.memory_space<vmem>>, vector<1x16xf32>,
      %swap3A_110 = arith.index_cast %scan3A_85 : i32 to index
      %swap3A_111 = arith.constant 80 : index
      %swap3A_112 = tpu.vector_load %arg4[%swap3A_110, %swap3A_111] {strides = array<i32>} : memref<128x128xf32, #tpu.memory_space<vmem>>, vector<1x16xf32>,
      %swap3A_113 = vector.shape_cast %swap3A_112 : vector<1x16xf32> to vector<16xf32>
      %swap3A_114 = vector.shape_cast %get3A_31 : vector<16xf32> to vector<1x16xf32>
      tpu.vector_store %arg4[%swap3A_110, %swap3A_111], %swap3A_114 {strides = array<i32>} : memref<128x128xf32, #tpu.memory_space<vmem>>, vector<1x16xf32>,
      %swap3A_115 = arith.index_cast %scan3A_85 : i32 to index
      %swap3A_116 = arith.constant 96 : index
      %swap3A_117 = tpu.vector_load %arg4[%swap3A_115, %swap3A_116] {strides = array<i32>} : memref<128x128xf32, #tpu.memory_space<vmem>>, vector<1x16xf32>,
      %swap3A_118 = vector.shape_cast %swap3A_117 : vector<1x16xf32> to vector<16xf32>
      %swap3A_119 = vector.shape_cast %get3A_36 : vector<16xf32> to vector<1x16xf32>
      tpu.vector_store %arg4[%swap3A_115, %swap3A_116], %swap3A_119 {strides = array<i32>} : memref<128x128xf32, #tpu.memory_space<vmem>>, vector<1x16xf32>,
      %swap3A_120 = arith.index_cast %scan3A_85 : i32 to index
      %swap3A_121 = arith.constant 112 : index
      %swap3A_122 = tpu.vector_load %arg4[%swap3A_120, %swap3A_121] {strides = array<i32>} : memref<128x128xf32, #tpu.memory_space<vmem>>, vector<1x16xf32>,
      %swap3A_123 = vector.shape_cast %swap3A_122 : vector<1x16xf32> to vector<16xf32>
      %swap3A_124 = vector.shape_cast %get3A_41 : vector<16xf32> to vector<1x16xf32>
      tpu.vector_store %arg4[%swap3A_120, %swap3A_121], %swap3A_124 {strides = array<i32>} : memref<128x128xf32, #tpu.memory_space<vmem>>, vector<1x16xf32>,
    }
    %scan3A_46 = arith.constant 127 : i32
    %add3A_47 = arith.constant 0 : i32
    %add3A_48 = arith.addi %mul3A_2, %add3A_47 : i32
    %dma_start3A = arith.constant 0 : i32
    %dma_start3A_49 = tpu.memref_slice %arg3[%add3A_48, %dma_start3A] : memref<16384x128xf32, #tpu.memory_space<hbm>> -> memref<128x128xf32, #tpu.memory_space<hbm>>
    %dma_start3A_50 = arith.constant 0 : i32
    %dma_start3A_51 = tpu.memref_slice %arg3[%add3A_48, %dma_start3A_50] : memref<16384x128xf32, #tpu.memory_space<hbm>> -> memref<128x128xf32, #tpu.memory_space<hbm>>
    tpu.enqueue_dma source(%arg4 : memref<128x128xf32, #tpu.memory_space<vmem>>) target(%dma_start3A_51 : memref<128x128xf32, #tpu.memory_space<hbm>>) target_semaphore(%arg5 : memref<!tpu.dma_semaphore, #tpu.memory_space<semaphore_mem>>)
    %add3A_52 = arith.constant 128 : i32
    %add3A_53 = arith.addi %mul3A_2, %add3A_52 : i32
    %dma_start3A_54 = arith.constant 0 : i32
    %dma_start3A_55 = tpu.memref_slice %arg3[%add3A_53, %dma_start3A_54] : memref<16384x128xf32, #tpu.memory_space<hbm>> -> memref<128x128xf32, #tpu.memory_space<hbm>>
    %dma_start3A_56 = arith.constant 0 : i32
    %dma_start3A_57 = tpu.memref_slice %arg3[%add3A_53, %dma_start3A_56] : memref<16384x128xf32, #tpu.memory_space<hbm>> -> memref<128x128xf32, #tpu.memory_space<hbm>>
    tpu.enqueue_dma source(%arg4 : memref<128x128xf32, #tpu.memory_space<vmem>>) target(%dma_start3A_57 : memref<128x128xf32, #tpu.memory_space<hbm>>) target_semaphore(%arg5 : memref<!tpu.dma_semaphore, #tpu.memory_space<semaphore_mem>>)
    %add3A_58 = arith.constant 256 : i32
    %add3A_59 = arith.addi %mul3A_2, %add3A_58 : i32
    %dma_start3A_60 = arith.constant 0 : i32
    %dma_start3A_61 = tpu.memref_slice %arg3[%add3A_59, %dma_start3A_60] : memref<16384x128xf32, #tpu.memory_space<hbm>> -> memref<128x128xf32, #tpu.memory_space<hbm>>
    %dma_start3A_62 = arith.constant 0 : i32
    %dma_start3A_63 = tpu.memref_slice %arg3[%add3A_59, %dma_start3A_62] : memref<16384x128xf32, #tpu.memory_space<hbm>> -> memref<128x128xf32, #tpu.memory_space<hbm>>
    tpu.enqueue_dma source(%arg4 : memref<128x128xf32, #tpu.memory_space<vmem>>) target(%dma_start3A_63 : memref<128x128xf32, #tpu.memory_space<hbm>>) target_semaphore(%arg5 : memref<!tpu.dma_semaphore, #tpu.memory_space<semaphore_mem>>)
    %add3A_64 = arith.constant 384 : i32
    %add3A_65 = arith.addi %mul3A_2, %add3A_64 : i32
    %dma_start3A_66 = arith.constant 0 : i32
    %dma_start3A_67 = tpu.memref_slice %arg3[%add3A_65, %dma_start3A_66] : memref<16384x128xf32, #tpu.memory_space<hbm>> -> memref<128x128xf32, #tpu.memory_space<hbm>>
    %dma_start3A_68 = arith.constant 0 : i32
    %dma_start3A_69 = tpu.memref_slice %arg3[%add3A_65, %dma_start3A_68] : memref<16384x128xf32, #tpu.memory_space<hbm>> -> memref<128x128xf32, #tpu.memory_space<hbm>>
    tpu.enqueue_dma source(%arg4 : memref<128x128xf32, #tpu.memory_space<vmem>>) target(%dma_start3A_69 : memref<128x128xf32, #tpu.memory_space<hbm>>) target_semaphore(%arg5 : memref<!tpu.dma_semaphore, #tpu.memory_space<semaphore_mem>>)
    %dma_wait3A = arith.constant 0 : i32
    %dma_wait3A_70 = tpu.memref_slice %arg3[%add3A_48, %dma_wait3A] : memref<16384x128xf32, #tpu.memory_space<hbm>> -> memref<128x128xf32, #tpu.memory_space<hbm>>
    %dma_wait3A_71 = arith.constant 0 : i32
    %dma_wait3A_72 = tpu.memref_slice %arg3[%add3A_48, %dma_wait3A_71] : memref<16384x128xf32, #tpu.memory_space<hbm>> -> memref<128x128xf32, #tpu.memory_space<hbm>>
    tpu.wait_dma2 semaphore(%arg5 : memref<!tpu.dma_semaphore, #tpu.memory_space<semaphore_mem>>) src(%arg4 : memref<128x128xf32, #tpu.memory_space<vmem>>) dst(%dma_wait3A_72 : memref<128x128xf32, #tpu.memory_space<hbm>>)
    %dma_wait3A_73 = arith.constant 0 : i32
    %dma_wait3A_74 = tpu.memref_slice %arg3[%add3A_53, %dma_wait3A_73] : memref<16384x128xf32, #tpu.memory_space<hbm>> -> memref<128x128xf32, #tpu.memory_space<hbm>>
    %dma_wait3A_75 = arith.constant 0 : i32
    %dma_wait3A_76 = tpu.memref_slice %arg3[%add3A_53, %dma_wait3A_75] : memref<16384x128xf32, #tpu.memory_space<hbm>> -> memref<128x128xf32, #tpu.memory_space<hbm>>
    tpu.wait_dma2 semaphore(%arg5 : memref<!tpu.dma_semaphore, #tpu.memory_space<semaphore_mem>>) src(%arg4 : memref<128x128xf32, #tpu.memory_space<vmem>>) dst(%dma_wait3A_76 : memref<128x128xf32, #tpu.memory_space<hbm>>)
    %dma_wait3A_77 = arith.constant 0 : i32
    %dma_wait3A_78 = tpu.memref_slice %arg3[%add3A_59, %dma_wait3A_77] : memref<16384x128xf32, #tpu.memory_space<hbm>> -> memref<128x128xf32, #tpu.memory_space<hbm>>
    %dma_wait3A_79 = arith.constant 0 : i32
    %dma_wait3A_80 = tpu.memref_slice %arg3[%add3A_59, %dma_wait3A_79] : memref<16384x128xf32, #tpu.memory_space<hbm>> -> memref<128x128xf32, #tpu.memory_space<hbm>>
    tpu.wait_dma2 semaphore(%arg5 : memref<!tpu.dma_semaphore, #tpu.memory_space<semaphore_mem>>) src(%arg4 : memref<128x128xf32, #tpu.memory_space<vmem>>) dst(%dma_wait3A_80 : memref<128x128xf32, #tpu.memory_space<hbm>>)
    %dma_wait3A_81 = arith.constant 0 : i32
    %dma_wait3A_82 = tpu.memref_slice %arg3[%add3A_65, %dma_wait3A_81] : memref<16384x128xf32, #tpu.memory_space<hbm>> -> memref<128x128xf32, #tpu.memory_space<hbm>>
    %dma_wait3A_83 = arith.constant 0 : i32
    %dma_wait3A_84 = tpu.memref_slice %arg3[%add3A_65, %dma_wait3A_83] : memref<16384x128xf32, #tpu.memory_space<hbm>> -> memref<128x128xf32, #tpu.memory_space<hbm>>
    tpu.wait_dma2 semaphore(%arg5 : memref<!tpu.dma_semaphore, #tpu.memory_space<semaphore_mem>>) src(%arg4 : memref<128x128xf32, #tpu.memory_space<vmem>>) dst(%dma_wait3A_84 : memref<128x128xf32, #tpu.memory_space<hbm>>)
    return
  }
}

</mosaic_0001>

<sc_bundles>
// kernel: kernel.3.cloned.1.call-start
scs
__scs_entry_jumppad:
0x0: {  	(pc) =	sbr.rel $0x88, $3  }
0x1: {  	(tag) =	ssettag $0x0;
	lr =	simm.s32 $0x1  }
0x2: {  	[smem:$0x3FA0] =	sst lr;
	_ =	strace $0xD0000000  }
0x3: {  	_ = 	snop  }
0x4: {  	_ = 	snop  }
0x5: {  	_ = 	snop  }
0x6: {  	_ = 	snop  }
0x7: {  	_ = 	snop  }
__scs_overlays_trampoline_lowered:
0x8: {  	[smem:$0x3FAF] =	sst s0  }
0x9: {  	[smem:$0x3FB0] =	sst s1  }
0xa: {  	[smem:$0x3FB1] =	sst s2  }
0xb: {  	[smem:$0x3FB2] =	sst s3  }
0xc: {  	[smem:$0x3FB3] =	sst s4  }
0xd: {  	[smem:$0x3FB4] =	sst s5  }
0xe: {  	[smem:$0x3FB5] =	sst s6  }
0xf: {  	[smem:$0x3FB6] =	sst s7  }
0x10: {  	[smem:$0x3FB7] =	sst s8  }
0x11: {  	[smem:$0x3FB8] =	sst s9;
	s0 =	simm.s32 @!p0 $0x0  }
0x12: {  	s1 =	sld [smem:$0x3F9E];
	s0 =	simm.s32 @p0 $0x1  }
0x13: {  	[smem:$0x3FB9] =	sst s0;
	s0 =	simm.s32 @!p1 $0x0  }
0x14: {  	s2 =	sld [smem:$0x3F9D];
	s0 =	simm.s32 @p1 $0x1  }
0x15: {  	[smem:$0x3FBA] =	sst s0;
	s0 =	simm.s32 @!p2 $0x0  }
0x16: {  	s3 =	sld [smem:$0x3FDB];
	s0 =	simm.s32 @p2 $0x1  }
0x17: {  	s4 =	simm.s32 $0x1BF5;
	[smem:$0x3FBC] =	sst s0  }
0x18: {  	s0 =	sld [smem:$0x3F9F];
	_ =	swait.ge [sflag:s4], $0x0  }
0x19: {  	s7 =	sld [smem:$0x3FA0]  }
0x1a: {  	s8 =	sadd.s32 $0xFFFFE003, lr  }
0x1b: {  	s9 =	sadd.s32 $0xFFFFFEF7, lr;
	s5 =	simm.s32 $0xFFFFFFFF;
	p2 =	slt.u32 s8, $0xFFFFF086  }
0x1c: {  	p1 =	slt.u32 s9, $0xF7A;
	s5 =	simm.s32 @!p2 $0x0  }
0x1d: {  	s5 =	simm.s32 @p1 $0x1;
	p0 =	seq.s32 s7, s2  }
0x1e: {  	s7 =	smul.u32 @!p0 $0xF7A, s2;
	p2 =	seq.s32 @!p0 s5, $0x0  }
0x1f: {  	s9 =	smul.u32 $0xF7A, s1;
	s8 =	simm.s32 @!p0 $0x1BF5;
	p2 =	por !p2, p0  }
0x20: {  	[sflag:s8] =	ssyncset.s32 @!p0 $0xFFFFF086;
	s6 =	sadd.s32 @!p0 s3, s7;
	s7 =	simm.s32 @!p0 $0x108  }
0x21: {  	s3 =	sadd.s32 s3, s9;
	s6 =	sadd.s32 @!p0 $0x88, s6;
	s7 =	simm.s32 @p2 $0x1082  }
0x22: {  	[simem:s7], [sflag:s8] =	dma.local @!p0 [hbm:s6], $0xF7A  }
0x23: {  	s9 =	sor.u32 $0xD0000000, s2;
	s6 =	simm.s32 $0x108;
	_ =	swait.ge @!p0 [sflag:s8], $0x0  }
0x24: {  	s3 =	sadd.s32 $0x88, s3;
	s6 =	simm.s32 @!p1 $0x1082;
	[sflag:s4] =	ssyncset.s32 $0xFFFFF086  }
0x25: {  	[simem:s6], [sflag:s4] =	dma.local [hbm:s3], $0xF7A  }
0x26: {  	[smem:$0x3FA0] =	sst s1;
	(tag) =	ssettag s2;
	_ =	strace s9  }
0x27: {  	s1 =	sld [smem:$0x3FB0]  }
0x28: {  	s2 =	sld [smem:$0x3FB1]  }
0x29: {  	s4 =	sld [smem:$0x3FB3]  }
0x2a: {  	p0 =	seq.s32 s5, $0x0;
	s5 =	sld [smem:$0x3FB4]  }
0x2b: {  	s6 =	sld [smem:$0x3FB5]  }
0x2c: {  	s7 =	sld [smem:$0x3FB6]  }
0x2d: {  	s3 =	simm.s32 $0x108;
	s8 =	sld [smem:$0x3FB7]  }
0x2e: {  	s3 =	simm.s32 @!p0 $0x1082;
	s9 =	sld [smem:$0x3FB8]  }
0x2f: {  	lr =	sadd.s32 s0, s3;
	s0 =	sld [smem:$0x3FAF]  }
0x30: {  	s3 =	sld [smem:$0x3FB2]  }
0x31: {  	[smem:$0x3FBB] =	sst s10  }
0x32: {  	s10 =	sld [smem:$0x3FB9];
	_ =	sdelay $0x3  }
0x33: {  	p0 =	seq.s32 s10, $0x1;
	s10 =	sld [smem:$0x3FBB];
	_ =	sdelay $0x3  }
0x34: {  	[smem:$0x3FBB] =	sst s10  }
0x35: {  	s10 =	sld [smem:$0x3FBA];
	_ =	sdelay $0x3  }
0x36: {  	p1 =	seq.s32 s10, $0x1;
	s10 =	sld [smem:$0x3FBB];
	_ =	sdelay $0x3  }
0x37: {  	[smem:$0x3FBB] =	sst s10  }
0x38: {  	s10 =	sld [smem:$0x3FBC]  }
0x39: {  	_ = 	snop;
	(pc) =	sbr.ind lr, $3  }
0x3a: {  	_ = 	snop  }
0x3b: {  	_ = 	snop  }
0x3c: {  	p2 =	seq.s32 s10, $0x1;
	s10 =	sld [smem:$0x3FBB]  }
0x3d: {  	_ =	shalt  }
0x3e: {  	_ =	shalt  }
0x3f: {  	_ =	shalt  }
0x40: {  	_ =	shalt  }
0x41: {  	_ =	shalt  }
0x42: {  	_ =	shalt  }
0x43: {  	_ =	shalt  }
0x44: {  	_ =	shalt  }
0x45: {  	_ =	shalt  }
0x46: {  	_ =	shalt  }
0x47: {  	_ =	shalt  }
0x48: {  	_ =	shalt  }
0x49: {  	_ =	shalt  }
0x4a: {  	_ =	shalt  }
0x4b: {  	_ =	shalt  }
0x4c: {  	_ =	shalt  }
0x4d: {  	_ =	shalt  }
0x4e: {  	_ =	shalt  }
0x4f: {  	_ =	shalt  }
0x50: {  	_ =	shalt  }
0x51: {  	_ =	shalt  }
0x52: {  	_ =	shalt  }
0x53: {  	_ =	shalt  }
0x54: {  	_ =	shalt  }
0x55: {  	_ =	shalt  }
0x56: {  	_ =	shalt  }
0x57: {  	_ =	shalt  }
0x58: {  	_ =	shalt  }
0x59: {  	_ =	shalt  }
0x5a: {  	_ =	shalt  }
0x5b: {  	_ =	shalt  }
0x5c: {  	_ =	shalt  }
0x5d: {  	_ =	shalt  }
0x5e: {  	_ =	shalt  }
0x5f: {  	_ =	shalt  }
0x60: {  	_ =	shalt  }
0x61: {  	_ =	shalt  }
0x62: {  	_ =	shalt  }
0x63: {  	_ =	shalt  }
0x64: {  	_ =	shalt  }
0x65: {  	_ =	shalt  }
0x66: {  	_ =	shalt  }
0x67: {  	_ =	shalt  }
0x68: {  	_ =	shalt  }
0x69: {  	_ =	shalt  }
0x6a: {  	_ =	shalt  }
0x6b: {  	_ =	shalt  }
0x6c: {  	_ =	shalt  }
0x6d: {  	_ =	shalt  }
0x6e: {  	_ =	shalt  }
0x6f: {  	_ =	shalt  }
0x70: {  	_ =	shalt  }
0x71: {  	_ =	shalt  }
0x72: {  	_ =	shalt  }
0x73: {  	_ =	shalt  }
0x74: {  	_ =	shalt  }
0x75: {  	_ =	shalt  }
0x76: {  	_ =	shalt  }
0x77: {  	_ =	shalt  }
0x78: {  	_ =	shalt  }
0x79: {  	_ =	shalt  }
0x7a: {  	_ =	shalt  }
0x7b: {  	_ =	shalt  }
0x7c: {  	_ =	shalt  }
0x7d: {  	_ =	shalt  }
0x7e: {  	_ =	shalt  }
0x7f: {  	_ =	shalt  }
0x80: {  	_ =	shalt  }
0x81: {  	_ =	shalt  }
0x82: {  	_ =	shalt  }
0x83: {  	_ =	shalt  }
0x84: {  	_ =	shalt  }
0x85: {  	_ =	shalt  }
0x86: {  	_ =	shalt  }
0x87: {  	_ =	shalt  }
.Lfunc_end0:
.L_simem_size_0:
called_computation_lowered:
.L_overlay_start_0:
0x88: {  	s2 =	sld [smem:$0x3FD9]  }
0x89: {  	s3 =	sld [smem:$0x3FFE];
	_ =	sdelay $0x1  }
0x8a: {  	s1 =	srdreg.scid  }
0x8b: {  	s0 =	sand.u32 $0x1, s1  }
0x8c: {  	s18 =	sshll.u32 s0, $0xA;
	s2 =	sadd.s32 s3, s2  }
0x8d: {  	s2 =	sadd.s32 s2, s18  }
0x8e: {  	[smem:$0x3FC7] =	sst s2  }
0x8f: {  	_ = 	snop  }
0x90: {  	s2 =	sld [smem:$0x3FC9]  }
0x91: {  	s19 =	sld [smem:$0x3FD0];
	(tm) =	ssettm $0x1  }
0x92: {  	s4 =	sld [smem:$0x3FFB];
	_ =	sdelay $0x3  }
0x93: {  	_ =	strace s4  }
0x94: {  	s4 =	sld [smem:$0x3FFC];
	_ =	sdelay $0x3  }
0x95: {  	_ =	strace s4  }
0x96: {  	s4 =	sld [smem:$0x3FFD];
	_ =	sdelay $0x3  }
0x97: {  	_ =	strace s4  }
0x98: {  	_ =	strace $0x8FFFFFFF  }
0x99: {  	s20 =	sld [smem:$0x3FDB];
	_ =	sdelay $0x1  }
0x9a: {  	s5 =	simm.s32 $_scs_section_size  }
0x9b: {  	s6 =	simm.s32 $_size__tile_overlayer_lowered;
	s7 =	simm.s32 $_tile_overlayer_lowered  }
0x9c: {  	s23 =	simm.s32 $0x1BFF;
	s22 =	sshll.u32 s7, $0x1;
	s4 =	sadd.s32 s5, s20  }
0x9d: {  	s8 =	simm.s32 $0x0;
	s21 =	sshll.u32 s6, $0x1;
	s6 =	sadd.s32 s22, s4  }
0x9e: {  	[timem:s8], [sflag:s23] =	dma.local [hbm:s6], s21  }
0x9f: {  	_ =	swait.ge [sflag:s23], s21  }
0xa0: {  	s5 =	ssub.s32 $0x0, s21;
	[sflag:s23] =	ssyncset.done $0x0  }
0xa1: {  	[sflag:s23] =	ssyncadd.s32 s5;
	_ =	sdelay $0x1  }
0xa2: {  	s24 =	simm.s32 $0x1B8B  }
0xa3: {  	_ =	swait.ge [sflag:s24], $0x1  }
0xa4: {  	[sflag:s24] =	ssyncset.done $0x0  }
0xa5: {  	s25 =	simm.s32 $0x1B8E;
	[sflag:s24] =	ssyncadd.s32 $0xFFFFFFFF  }
0xa6: {  	s26 =	simm.s32 $execute0_lowered;
	[smem:$0x3FD2] =	sst s25  }
0xa7: {  	s5 =	sshll.u32 s26, $0x1;
	_ =	strace $0x80000046;
	[dreg:$0x1] =	wrdreg $0xFFFFFFFF  }
0xa8: {  	s28 =	simm.s32 $_size_execute0_lowered;
	s4 =	sadd.s32 s4, s5;
	[dreg:$0x0] =	wrdreg $0x0  }
0xa9: {  	s5 =	sshll.u32 s28, $0x1;
	[dreg:$0x2] =	wrdreg s4  }
0xaa: {  	[dreg:$0x3] =	wrdreg s5  }
0xab: {  	[dreg:$0x4] =	wrdreg $0xC0  }
0xac: {  	_ =	task [dreg:s8], $0x5FFFF  }
0xad: {  	[dreg:$0x1] =	wrdreg $0xFFFFFFFF  }
0xae: {  	[dreg:$0x0] =	wrdreg $0x60  }
0xaf: {  	[dreg:$0x2] =	wrdreg s2  }
0xb0: {  	[dreg:$0x3] =	wrdreg s19  }
0xb1: {  	[dreg:$0x4] =	wrdreg $0x9  }
0xb2: {  	_ =	task.clear_ibuf [dreg:s8], $0x5FFFF;
	_ =	strace $0x90000046  }
0xb3: {  	s29 =	simm.s32 $0x9;
	_ =	strace $0x80000048  }
0xb4: {  	_ =	swait.ge [sflag:s29], $0x1  }
0xb5: {  	[sflag:s29] =	ssyncadd.s32 $0xFFFFFFFF  }
0xb6: {  	_ =	strace $0x90000048  }
0xb7: {  	_ =	sfence  }
0xb8: {  	s30 =	sld [smem:$0x0];
	_ =	sdelay $0x2  }
0xb9: {  	s31 =	sshll.u32 s1, $0xD;
	s1 =	sshrl.u32 s1, $0x2  }
0xba: {  	s3 =	sand.u32 $0x4000, s31;
	s1 =	sadd.s32 s1, s30  }
0xbb: {  	s0 =	sor.u32 s3, s0;
	s1 =	sshll.u32 s1, $0x11  }
0xbc: {  	s0 =	sor.u32 s1, s0  }
0xbd: {  	s0 =	sadd.s32 $0x8F2B, s0  }
0xbe: {  	[sflag:s0] =	ssyncadd.remote.s32 $0x1  }
0xbf: {  	_ =	sfence.sel $0xFFFF  }
0xc0: {  	[dreg:$0x0] =	wrdreg $0xFFFFFFFF;
	(pc) =	sbr.abs _section_cstart, $3  }
0xc1: {  	[dreg:$0x1] =	wrdreg $0xFFFFFFFF  }
0xc2: {  	_ =	task.clear_ibuf [dreg:s8], $0x2FFFF;
	_ =	strace $0x9FFFFFFF  }
0xc3: {  	(tm) =	ssettm $0x7FFFFFFF  }
tec
execute0_lowered:
.L_overlay_start_1:
0x0: {  	(tag) =	ssettag $0x1  }
0x1: {  	s2 =	rddreg [dreg:$0x0];
	s0 =	srdreg.scid  }
0x2: {  	s4 =	rddreg [dreg:$0x1];
	s1 =	stileid.u32;
	s3 =	simm.s32 $0x0  }
0x3: {  	s9 =	simm.s32 $0x2;
	s10 =	simm.s32 $0x1;
	s5 =	sand.u32 $0x1, s0  }
0x4: {  	s11 =	simm.s32 $0x0;
	s6 =	sshll.u32 s1, $0xE;
	s7 =	sshll.u32 s5, $0xD  }
0x5: {  	s0 =	rddreg [dreg:$0x2];
	s5 =	ssub.s32 $0x2, s5;
	s6 =	sor.u32 s7, s6  }
0x6: {  	[smem:$0x7FF] =	sst s3;
	s31 =	sshrl.u32 s5, $0x1;
	s4 =	sadd.s32 s4, s6  }
0x7: {  	_ =	strace $0x80000047;
	s8 =	ssub.s32 s5, s31;
	s5 =	sadd.s32 $0x800, s4  }
0x8: {  	s6 =	sadd.s32 $0x1000, s4;
	s7 =	sadd.s32 $0x1800, s4;
	s8 =	smax.u32 s8, $0x1  }
.LBB2_1:
0x9: {  	[tilespmem:s3], [sflag:$0x2] =	stream.linear.gather [hbm4b:s2+s3], $0x80, $0x38;
	[tilespmem:$0x4000] =	vst v63  }
0xa: {  	_ =	swait.ge [sflag:s9], $0x80  }
0xb: {  	[sflag:s9] =	ssyncset.done $0x0  }
0xc: {  	[sflag:s9] =	ssyncadd.s32 $0xFFFFFF80  }
0xd: {  	v0 =	vld [tilespmem:$0x0]  }
0xe: {  	v1 =	vld [tilespmem:$0x10]  }
0xf: {  	v2 =	vld [tilespmem:$0x20]  }
0x10: {  	v7 =	vld [tilespmem:$0x70]  }
0x11: {  	v3 =	vld [tilespmem:$0x30]  }
0x12: {  	v4 =	vld [tilespmem:$0x40]  }
0x13: {  	v5 =	vld [tilespmem:$0x50]  }
0x14: {  	s12 =	simm.s32 $0x0;
	s13 =	simm.s32 $0x200;
	v6 =	vld [tilespmem:$0x60]  }
.LBB2_2:
0x15: {  	p0 =	sne.s32 s13, $0xFC00;
	[tilespmem:s12+$0xF0] =	vst v7  }
0x16: {  	[tilespmem:s12+$0x80] =	vst v0  }
0x17: {  	[tilespmem:s12+$0x90] =	vst v1  }
.Ltmp0:
0x18: {  	[tilespmem:s12+$0xA0] =	vst v2;
	(pc) =	sbr.rel @p0 .LBB2_2-.Ltmp0, $4  }
0x19: {  	[tilespmem:s12+$0xB0] =	vst v3  }
0x1a: {  	[tilespmem:s12+$0xC0] =	vst v4  }
0x1b: {  	[tilespmem:s12+$0xD0] =	vst v5  }
0x1c: {  	[tilespmem:s12+$0xE0] =	vst v6;
	s12 =	sshra.s32 s13, $0x2;
	s13 =	sadd.s32 $0x200, s13  }
0x1d: {  	[tilespmem:s12+$0xF0] =	vst v7  }
0x1e: {  	[tilespmem:s12+$0x80] =	vst v0  }
0x1f: {  	[tilespmem:s12+$0x90] =	vst v1  }
0x20: {  	[tilespmem:s12+$0xA0] =	vst v2  }
0x21: {  	[tilespmem:s12+$0xB0] =	vst v3  }
0x22: {  	[tilespmem:s12+$0xC0] =	vst v4  }
0x23: {  	[tilespmem:s12+$0xD0] =	vst v5  }
0x24: {  	[tilespmem:s12+$0xE0] =	vst v6  }
0x25: {  	[hbm4b:s4+s3] =	stream.linear.scatter [tilespmem:s3], [sflag:$0x1], $0x4000, $0x38;
	[tilespmem:$0x4000] =	vst v63  }
0x26: {  	_ = 	snop  }
0x27: {  	[hbm4b:s5+s3] =	stream.linear.scatter [tilespmem:s3], [sflag:$0x1], $0x4000, $0x38;
	[tilespmem:$0x4000] =	vst v63  }
0x28: {  	_ = 	snop  }
0x29: {  	[hbm4b:s6+s3] =	stream.linear.scatter [tilespmem:s3], [sflag:$0x1], $0x4000, $0x38;
	[tilespmem:$0x4000] =	vst v63  }
0x2a: {  	_ = 	snop  }
0x2b: {  	[hbm4b:s7+s3] =	stream.linear.scatter [tilespmem:s3], [sflag:$0x1], $0x4000, $0x38;
	[tilespmem:$0x4000] =	vst v63  }
0x2c: {  	_ =	swait.ge [sflag:s10], $0x4000  }
0x2d: {  	[sflag:s10] =	ssyncset.done $0x0  }
0x2e: {  	[sflag:s10] =	ssyncadd.s32 $0xFFFFC000  }
0x2f: {  	_ =	swait.ge [sflag:s10], $0x4000  }
0x30: {  	[sflag:s10] =	ssyncset.done $0x0  }
0x31: {  	s11 =	sadd.s32 $0x1, s11;
	[sflag:s10] =	ssyncadd.s32 $0xFFFFC000  }
0x32: {  	p0 =	sne.s32 s11, s8;
	_ =	swait.ge [sflag:s10], $0x4000  }
.Ltmp1:
0x33: {  	[sflag:s10] =	ssyncset.done $0x0;
	(pc) =	sbr.rel @p0 .LBB2_1-.Ltmp1, $4  }
0x34: {  	[sflag:s10] =	ssyncadd.s32 $0xFFFFC000  }
0x35: {  	_ =	swait.ge [sflag:s10], $0x4000  }
0x36: {  	[sflag:s10] =	ssyncset.done $0x0  }
0x37: {  	[sflag:s10] =	ssyncadd.s32 $0xFFFFC000  }
0x38: {  	_ =	sfence.sel $0x180000  }
0x39: {  	[bflag:$0x0] =	sbarrier.arrive $0xFFFF  }
0x3a: {  	p0 =	sne.s32 s1, $0x0;
	_ =	strace $0x90000047  }
0x3b: {  	s0 =	sadd.s32 @!p0 $0x100000, s0;
	[bflag:$0x2] =	sbarrier.arrive $0xFFFF  }
0x3c: {  	[sflag:s0] =	ssyncadd.tile.s32 @!p0 $0x1;
	_ =	shalt  }
.Lfunc_end2:
_tile_overlayer_lowered:
.L_overlay_start_2:
0x3d: {  	(tag) =	ssettag $0x2  }
0x3e: {  	s0 =	rddreg [dreg:$0x0];
	s2 =	stileid.u32  }
0x3f: {  	s1 =	rddreg [dreg:$0x1];
	p0 =	sne.s32 s2, $0x0  }
0x40: {  	s3 =	rddreg [dreg:$0x2];
	[bflag:$0x3] =	sbarrier.arrive $0xFFFF;
	s2 =	simm.s32 @!p0 $0x1C02  }
0x41: {  	[timem:s3], [sflag:s2] =	dma.local @!p0 [hbm:s0], s1  }
0x42: {  	s0 =	simm.s32 @!p0 $0x2  }
0x43: {  	_ =	swait.ge @!p0 [sflag:s0], s1  }
0x44: {  	s1 =	ssub.s32 @!p0 $0x0, s1;
	[sflag:s0] =	ssyncset.done @!p0 $0x0  }
0x45: {  	[sflag:s0] =	ssyncadd.s32 @!p0 s1  }
0x46: {  	[bflag:$0x3] =	sbarrier.arrive $0xFFFF  }
0x47: {  	_ =	shalt  }

</sc_bundles>
